<compile_context>
chip_gen: v7x
topology: tpu7x:2x2x1
jax: 0.10.2.dev20260603
libtpu: 0.0.44.dev20260713+nightly
codegen_flags: <defaults>
</compile_context>

<pallas_src>
import functools

import jax
import jax.numpy as jnp
from jax import lax
from jax.experimental import pallas as pl
from jax.experimental.pallas import tpu as pltpu
from jax.experimental.pallas import tpu_sc as plsc

S = 64
K = 256
COLS = 1024
L = 16
NC = 2
NS = 16
NW = NC * NS
CW = COLS // NW
NG = K // L


def _take(v, idx):
    return v.at[idx].get(mode="promise_in_bounds")


def _body(x_hbm, idx_hbm, val_hbm, out_hbm,
          xv, idxv, valv, outv, cpx, vpx, srowx, pex, mx, upx,
          sem1, sem2, sem3):
    wid = lax.axis_index("s") * NC + lax.axis_index("c")
    c0 = wid * CW

    cp1 = pltpu.async_copy(x_hbm.at[:, pl.ds(c0, CW)], xv.at[:, pl.ds(0, CW)], sem1)
    cp2 = pltpu.async_copy(idx_hbm, idxv, sem2)
    cp3 = pltpu.async_copy(val_hbm, valv, sem3)

    lane = lax.iota(jnp.int32, L)
    zv = jnp.zeros((L,), jnp.float32)

    @plsc.parallel_loop(0, S, step=1, unroll=8)
    def _zero_row(r):
        for h in range(CW // L):
            outv[r, pl.ds(h * L, L)] = zv

    cp2.wait()
    cp3.wait()

    lane_prev = jnp.maximum(lane - 1, 0)
    lane_next = jnp.minimum(lane + 1, L - 1)
    neg1 = jnp.full((L,), -1, jnp.int32)

    @plsc.parallel_loop(0, NG, step=1, unroll=2)
    def _prep(g):
        rg = idxv[0, pl.ds(g * L, L)]
        cg = idxv[1, pl.ds(g * L, L)]
        vg = valv[pl.ds(g * L, L)]
        srow, perm = plsc.sort_key_val(rg, lane)
        nxt = _take(srow, lane_next)
        m = (srow != nxt) | (lane == L - 1)
        e = jnp.where(m, lane, neg1)
        eshift = jnp.where(lane == 0, neg1, _take(e, lane_prev))
        pe = plsc.cummax(eshift)
        cpx[g] = _take(cg, perm)
        vpx[g] = _take(vg, perm)
        srowx[g] = srow
        pex[g] = jnp.maximum(pe, 0)
        mx[g] = jnp.where(m, 1, 0)
        upx[g] = jnp.where(pe >= 0, 1, 0)

    cp1.wait()

    def group(g, carry):
        cp = cpx[g]
        vp = vpx[g]
        srow = srowx[g]
        pe_c = pex[g]
        m = mx[g] != 0
        use_prev = upx[g] != 0

        @plsc.parallel_loop(0, CW, step=1, unroll=2)
        def _col(j):
            jv = jnp.full((L,), j, jnp.int32)
            xg = plsc.load_gather(xv, [cp, jv])
            cs = plsc.cumsum(vp * xg)
            prev = jnp.where(use_prev, _take(cs, pe_c), 0.0)
            plsc.addupdate_scatter(outv, [srow, jv], cs - prev, mask=m)

        return carry

    lax.fori_loop(0, NG, group, 0)

    pltpu.sync_copy(outv.at[:, pl.ds(0, CW)], out_hbm.at[:, pl.ds(c0, CW)])


def kernel(x, indices, values):
    mesh = plsc.VectorSubcoreMesh(core_axis_name="c", subcore_axis_name="s")
    f = functools.partial(
        pl.kernel,
        out_type=jax.ShapeDtypeStruct((S, COLS), jnp.float32),
        mesh=mesh,
        scratch_types=[
            pltpu.VMEM((S, CW + 1), jnp.float32),
            pltpu.VMEM((2, K), jnp.int32),
            pltpu.VMEM((K,), jnp.float32),
            pltpu.VMEM((S, CW + 1), jnp.float32),
            pltpu.VMEM((NG, L), jnp.int32),
            pltpu.VMEM((NG, L), jnp.float32),
            pltpu.VMEM((NG, L), jnp.int32),
            pltpu.VMEM((NG, L), jnp.int32),
            pltpu.VMEM((NG, L), jnp.int32),
            pltpu.VMEM((NG, L), jnp.int32),
            pltpu.SemaphoreType.DMA,
            pltpu.SemaphoreType.DMA,
            pltpu.SemaphoreType.DMA,
        ],
        compiler_params=pltpu.CompilerParams(
            use_tc_tiling_on_sc=False,
            needs_layout_passes=False,
            disable_bounds_checks=True,
        ),
    )(_body)
    return f(x, indices.astype(jnp.int32), values.astype(jnp.float32))

# --- scband reference (transcript-rebuilt; emitter-appended) ---
"""Pipeline reference for scband-sparse-layer-36902359007239 (READ-ONLY COPY).

The authoritative reference and input builder live on the scoring server;
editing this copy changes nothing except your own understanding.
"""

import jax, jax.numpy as jnp
import numpy as np

S = 64
K = 256
COLS = 1024

def setup_inputs(seed: int = 0) -> dict:
    key = jax.random.key(seed)
    k1, k2, k3 = jax.random.split(key, 3)
    # forward input x: dense matrix [S, COLS]
    x = jax.random.normal(k1, (S, COLS), dtype=jnp.float32)
    # module-constant sparse indices: (torch.rand(2, K) * S).long() -> uniform ints in [0, S)
    indices = jax.random.randint(k2, (2, K), 0, S, dtype=jnp.int64)
    # learned parameter values: torch.rand(K)
    values = jax.random.uniform(k3, (K,), dtype=jnp.float32)
    return {"x": x, "indices": indices, "values": values}

def reference(x, indices, values):
    # Faithful translation of util.SparseMult: build sparse matrix A from
    # (indices, values, size=[S, S]) and compute A @ x via gather + scatter-add.
    rows = indices[0]
    cols = indices[1]
    # gather rows of x addressed by sparse column indices, scale by nnz values
    contrib = values[:, None] * jnp.take(x, cols, axis=0)  # [K, COLS]
    # scatter-add into output rows
    out = jnp.zeros((S, x.shape[1]), dtype=x.dtype).at[rows].add(contrib)
    return out

if __name__ == "__main__":
    import jax
    _d = setup_inputs()
    print(jax.jit(kernel)(*tuple(_d.values())))

</pallas_src>

<mosaic_0001>
#map = affine_map<(d0, d1) -> (0, 0)>
#map1 = affine_map<(d0, d1) -> (0)>
module attributes {stable_mosaic.version = 14 : i64} {
  func.func @_body(%arg0: i32, %arg1: i32, %arg2: memref<64x1024xf32, #tpu.memory_space<hbm>>, %arg3: memref<2x256xi32, #tpu.memory_space<hbm>>, %arg4: memref<256xf32, #tpu.memory_space<hbm>>, %arg5: memref<64x1024xf32, #tpu.memory_space<hbm>>, %arg6: memref<64x33xf32, #tpu.memory_space<vmem>>, %arg7: memref<2x256xi32, #tpu.memory_space<vmem>>, %arg8: memref<256xf32, #tpu.memory_space<vmem>>, %arg9: memref<64x33xf32, #tpu.memory_space<vmem>>, %arg10: memref<16x16xi32, #tpu.memory_space<vmem>>, %arg11: memref<16x16xf32, #tpu.memory_space<vmem>>, %arg12: memref<16x16xi32, #tpu.memory_space<vmem>>, %arg13: memref<16x16xi32, #tpu.memory_space<vmem>>, %arg14: memref<16x16xi32, #tpu.memory_space<vmem>>, %arg15: memref<16x16xi32, #tpu.memory_space<vmem>>, %arg16: memref<!tpu.dma_semaphore, #tpu.memory_space<semaphore_mem>>, %arg17: memref<!tpu.dma_semaphore, #tpu.memory_space<semaphore_mem>>, %arg18: memref<!tpu.dma_semaphore, #tpu.memory_space<semaphore_mem>>) attributes {dimension_semantics = [#tpu.dimension_semantics<core_parallel>, #tpu.dimension_semantics<subcore_parallel>], iteration_bounds = array<i64: 2, 16>, scalar_prefetch = 0 : i64, scratch_operands = 13 : i64, tpu.core_type = #tpu.core_type<sc_vector_subcore>, window_params = [{transform_indices = #map}, {transform_indices = #map}, {transform_indices = #map1}, {transform_indices = #map}]} {
    %mul3A = arith.constant 2 : i32
    %mul3A_0 = arith.muli %arg1, %mul3A : i32
    %add3A = arith.addi %mul3A_0, %arg0 : i32
    %mul3A_1 = arith.constant 32 : i32
    %mul3A_2 = arith.muli %add3A, %mul3A_1 : i32
    %dma_start3A = arith.constant 0 : i32
    %dma_start3A_3 = arith.constant 0 : i32
    %dma_start3A_4 = tpu.memref_slice %arg6[%dma_start3A, %dma_start3A_3] : memref<64x33xf32, #tpu.memory_space<vmem>> -> memref<64x32xf32, #tpu.memory_space<vmem>>
    %dma_start3A_5 = arith.constant 0 : i32
    %dma_start3A_6 = tpu.memref_slice %arg2[%dma_start3A_5, %mul3A_2] : memref<64x1024xf32, #tpu.memory_space<hbm>> -> memref<64x32xf32, #tpu.memory_space<hbm>>
    %dma_start3A_7 = arith.constant 0 : i32
    %dma_start3A_8 = arith.constant 0 : i32
    %dma_start3A_9 = tpu.memref_slice %arg6[%dma_start3A_7, %dma_start3A_8] : memref<64x33xf32, #tpu.memory_space<vmem>> -> memref<64x32xf32, #tpu.memory_space<vmem>>
    %dma_start3A_10 = arith.constant 0 : i32
    %dma_start3A_11 = tpu.memref_slice %arg2[%dma_start3A_10, %mul3A_2] : memref<64x1024xf32, #tpu.memory_space<hbm>> -> memref<64x32xf32, #tpu.memory_space<hbm>>
    tpu.enqueue_dma source(%dma_start3A_11 : memref<64x32xf32, #tpu.memory_space<hbm>>) target(%dma_start3A_9 : memref<64x32xf32, #tpu.memory_space<vmem>>) target_semaphore(%arg16 : memref<!tpu.dma_semaphore, #tpu.memory_space<semaphore_mem>>)
    tpu.enqueue_dma source(%arg3 : memref<2x256xi32, #tpu.memory_space<hbm>>) target(%arg7 : memref<2x256xi32, #tpu.memory_space<vmem>>) target_semaphore(%arg17 : memref<!tpu.dma_semaphore, #tpu.memory_space<semaphore_mem>>)
    tpu.enqueue_dma source(%arg4 : memref<256xf32, #tpu.memory_space<hbm>>) target(%arg8 : memref<256xf32, #tpu.memory_space<vmem>>) target_semaphore(%arg18 : memref<!tpu.dma_semaphore, #tpu.memory_space<semaphore_mem>>)
    %iota3A = tpu.iota {dimensions = array<i32: 0>} : vector<16xi32>
    %broadcast_in_dim3A = arith.constant 0.000000e+00 : f32
    %broadcast_in_dim3A_12 = vector.broadcast %broadcast_in_dim3A : f32 to vector<16xf32>
    %parallel_loop3A = arith.constant 0 : i32
    %parallel_loop3A_13 = arith.constant 64 : i32
    %parallel_loop3A_14 = arith.constant 1 : i32
    scf.for %parallel_loop3A_43 = %parallel_loop3A to %parallel_loop3A_13 step %parallel_loop3A_14  : i32 {
      %parallel_loop3A_44 = arith.index_cast %parallel_loop3A_43 : i32 to index
      %parallel_loop3A_45 = arith.constant 0 : index
      %parallel_loop3A_46 = tpu.vector_load %arg9[%parallel_loop3A_44, %parallel_loop3A_45] {strides = array<i32>} : memref<64x33xf32, #tpu.memory_space<vmem>>, vector<16xf32>,
      tpu.vector_store %arg9[%parallel_loop3A_44, %parallel_loop3A_45], %broadcast_in_dim3A_12 {strides = array<i32>} : memref<64x33xf32, #tpu.memory_space<vmem>>, vector<16xf32>,
      %parallel_loop3A_47 = arith.index_cast %parallel_loop3A_43 : i32 to index
      %parallel_loop3A_48 = arith.constant 16 : index
      %parallel_loop3A_49 = tpu.vector_load %arg9[%parallel_loop3A_47, %parallel_loop3A_48] {strides = array<i32>} : memref<64x33xf32, #tpu.memory_space<vmem>>, vector<16xf32>,
      tpu.vector_store %arg9[%parallel_loop3A_47, %parallel_loop3A_48], %broadcast_in_dim3A_12 {strides = array<i32>} : memref<64x33xf32, #tpu.memory_space<vmem>>, vector<16xf32>,
    } {sc.loop_unroll_factor = 8 : i64, sc.parallel_access}
    tpu.wait_dma2 semaphore(%arg17 : memref<!tpu.dma_semaphore, #tpu.memory_space<semaphore_mem>>) src(%arg3 : memref<2x256xi32, #tpu.memory_space<hbm>>) dst(%arg7 : memref<2x256xi32, #tpu.memory_space<vmem>>)
    tpu.wait_dma2 semaphore(%arg18 : memref<!tpu.dma_semaphore, #tpu.memory_space<semaphore_mem>>) src(%arg4 : memref<256xf32, #tpu.memory_space<hbm>>) dst(%arg8 : memref<256xf32, #tpu.memory_space<vmem>>)
    %sub3A = arith.constant 1 : i32
    %sub3A_15 = vector.broadcast %sub3A : i32 to vector<16xi32>
    %sub3A_16 = arith.subi %iota3A, %sub3A_15 : vector<16xi32>
    %max3A = arith.constant 0 : i32
    %max3A_17 = vector.broadcast %max3A : i32 to vector<16xi32>
    %max3A_18 = arith.maxsi %sub3A_16, %max3A_17 : vector<16xi32>
    %add3A_19 = arith.constant 1 : i32
    %add3A_20 = vector.broadcast %add3A_19 : i32 to vector<16xi32>
    %add3A_21 = arith.addi %iota3A, %add3A_20 : vector<16xi32>
    %min3A = arith.constant 15 : i32
    %min3A_22 = vector.broadcast %min3A : i32 to vector<16xi32>
    %min3A_23 = arith.minsi %add3A_21, %min3A_22 : vector<16xi32>
    %broadcast_in_dim3A_24 = arith.constant -1 : i32
    %broadcast_in_dim3A_25 = vector.broadcast %broadcast_in_dim3A_24 : i32 to vector<16xi32>
    %parallel_loop3A_26 = arith.constant 0 : i32
    %parallel_loop3A_27 = arith.constant 16 : i32
    %parallel_loop3A_28 = arith.constant 1 : i32
    scf.for %parallel_loop3A_43 = %parallel_loop3A_26 to %parallel_loop3A_27 step %parallel_loop3A_28  : i32 {
      %parallel_loop3A_44 = arith.constant 16 : i32
      %parallel_loop3A_45 = arith.muli %parallel_loop3A_43, %parallel_loop3A_44 : i32
      %parallel_loop3A_46 = arith.constant 0 : i32
      %parallel_loop3A_47 = arith.index_cast %parallel_loop3A_46 : i32 to index
      %parallel_loop3A_48 = arith.index_cast %parallel_loop3A_45 : i32 to index
      %parallel_loop3A_49 = tpu.vector_load %arg7[%parallel_loop3A_47, %parallel_loop3A_48] {strides = array<i32>} : memref<2x256xi32, #tpu.memory_space<vmem>>, vector<16xi32>,
      %parallel_loop3A_50 = arith.constant 16 : i32
      %parallel_loop3A_51 = arith.muli %parallel_loop3A_43, %parallel_loop3A_50 : i32
      %parallel_loop3A_52 = arith.constant 1 : i32
      %parallel_loop3A_53 = arith.index_cast %parallel_loop3A_52 : i32 to index
      %parallel_loop3A_54 = arith.index_cast %parallel_loop3A_51 : i32 to index
      %parallel_loop3A_55 = tpu.vector_load %arg7[%parallel_loop3A_53, %parallel_loop3A_54] {strides = array<i32>} : memref<2x256xi32, #tpu.memory_space<vmem>>, vector<16xi32>,
      %parallel_loop3A_56 = arith.constant 16 : i32
      %parallel_loop3A_57 = arith.muli %parallel_loop3A_43, %parallel_loop3A_56 : i32
      %parallel_loop3A_58 = arith.index_cast %parallel_loop3A_57 : i32 to index
      %parallel_loop3A_59 = tpu.vector_load %arg8[%parallel_loop3A_58] {strides = array<i32>} : memref<256xf32, #tpu.memory_space<vmem>>, vector<16xf32>,
      %parallel_loop3A_60 = arith.constant dense<true> : vector<16xi1>
      %parallel_loop3A_61 = arith.constant -2147483648 : i32
      %parallel_loop3A_62 = vector.broadcast %parallel_loop3A_61 : i32 to vector<16xi32>
      %parallel_loop3A_63 = arith.xori %parallel_loop3A_49, %parallel_loop3A_62 : vector<16xi32>
      %parallel_loop3A_64, %parallel_loop3A_65, %parallel_loop3A_66 = tpu.sort %parallel_loop3A_63, %iota3A masked %parallel_loop3A_60 : (vector<16xi32>, vector<16xi32>, vector<16xi1>) -> (vector<16xi1>, vector<16xi32>, vector<16xi32>)
      %parallel_loop3A_67 = arith.xori %parallel_loop3A_65, %parallel_loop3A_62 : vector<16xi32>
      %parallel_loop3A_68 = arith.constant 0 : i32
      %parallel_loop3A_69 = vector.broadcast %parallel_loop3A_68 : i32 to vector<16xi32>
      %parallel_loop3A_70 = arith.cmpi slt, %min3A_23, %parallel_loop3A_69 : vector<16xi32>
      %parallel_loop3A_71 = arith.constant 16 : i32
      %parallel_loop3A_72 = vector.broadcast %parallel_loop3A_71 : i32 to vector<16xi32>
      %parallel_loop3A_73 = arith.addi %min3A_23, %parallel_loop3A_72 : vector<16xi32>
      %parallel_loop3A_74 = arith.select %parallel_loop3A_70, %parallel_loop3A_73, %min3A_23 : vector<16xi1>, vector<16xi32>
      %parallel_loop3A_75 = vector.shape_cast %parallel_loop3A_74 : vector<16xi32> to vector<16x1xi32>
      %parallel_loop3A_76 = vector.shape_cast %parallel_loop3A_75 : vector<16x1xi32> to vector<16xi32>
      %parallel_loop3A_77 = tpu.dynamic_gather %parallel_loop3A_67[%parallel_loop3A_76] in [0] : vector<16xi32>, vector<16xi32> -> vector<16xi32>
      %parallel_loop3A_78 = arith.cmpi ne, %parallel_loop3A_67, %parallel_loop3A_77 : vector<16xi32>
      %parallel_loop3A_79 = arith.constant 15 : i32
      %parallel_loop3A_80 = vector.broadcast %parallel_loop3A_79 : i32 to vector<16xi32>
      %parallel_loop3A_81 = arith.cmpi eq, %iota3A, %parallel_loop3A_80 : vector<16xi32>
      %parallel_loop3A_82 = arith.ori %parallel_loop3A_78, %parallel_loop3A_81 : vector<16xi1>
      %parallel_loop3A_83 = arith.select %parallel_loop3A_82, %iota3A, %broadcast_in_dim3A_25 : vector<16xi1>, vector<16xi32>
      %parallel_loop3A_84 = arith.constant 0 : i32
      %parallel_loop3A_85 = vector.broadcast %parallel_loop3A_84 : i32 to vector<16xi32>
      %parallel_loop3A_86 = arith.cmpi eq, %iota3A, %parallel_loop3A_85 : vector<16xi32>
      %parallel_loop3A_87 = arith.constant 0 : i32
      %parallel_loop3A_88 = vector.broadcast %parallel_loop3A_87 : i32 to vector<16xi32>
      %parallel_loop3A_89 = arith.cmpi slt, %max3A_18, %parallel_loop3A_88 : vector<16xi32>
      %parallel_loop3A_90 = arith.constant 16 : i32
      %parallel_loop3A_91 = vector.broadcast %parallel_loop3A_90 : i32 to vector<16xi32>
      %parallel_loop3A_92 = arith.addi %max3A_18, %parallel_loop3A_91 : vector<16xi32>
      %parallel_loop3A_93 = arith.select %parallel_loop3A_89, %parallel_loop3A_92, %max3A_18 : vector<16xi1>, vector<16xi32>
      %parallel_loop3A_94 = vector.shape_cast %parallel_loop3A_93 : vector<16xi32> to vector<16x1xi32>
      %parallel_loop3A_95 = vector.shape_cast %parallel_loop3A_94 : vector<16x1xi32> to vector<16xi32>
      %parallel_loop3A_96 = tpu.dynamic_gather %parallel_loop3A_83[%parallel_loop3A_95] in [0] : vector<16xi32>, vector<16xi32> -> vector<16xi32>
      %parallel_loop3A_97 = arith.select %parallel_loop3A_86, %broadcast_in_dim3A_25, %parallel_loop3A_96 : vector<16xi1>, vector<16xi32>
      %parallel_loop3A_98 = arith.constant true
      %parallel_loop3A_99 = vector.broadcast %parallel_loop3A_98 : i1 to vector<16xi1>
      %parallel_loop3A_100 = arith.constant -2147483648 : i32
      %parallel_loop3A_101 = vector.broadcast %parallel_loop3A_100 : i32 to vector<16xi32>
      %parallel_loop3A_102 = arith.xori %parallel_loop3A_97, %parallel_loop3A_101 : vector<16xi32>
      %parallel_loop3A_103 = tpu.scan <max>, %parallel_loop3A_102 masked %parallel_loop3A_99 : vector<16xi32>, vector<16xi1> -> vector<16xi32>
      %parallel_loop3A_104 = arith.xori %parallel_loop3A_103, %parallel_loop3A_101 : vector<16xi32>
      %parallel_loop3A_105 = arith.constant 0 : i32
      %parallel_loop3A_106 = vector.broadcast %parallel_loop3A_105 : i32 to vector<16xi32>
      %parallel_loop3A_107 = arith.cmpi slt, %parallel_loop3A_66, %parallel_loop3A_106 : vector<16xi32>
      %parallel_loop3A_108 = arith.constant 16 : i32
      %parallel_loop3A_109 = vector.broadcast %parallel_loop3A_108 : i32 to vector<16xi32>
      %parallel_loop3A_110 = arith.addi %parallel_loop3A_66, %parallel_loop3A_109 : vector<16xi32>
      %parallel_loop3A_111 = arith.select %parallel_loop3A_107, %parallel_loop3A_110, %parallel_loop3A_66 : vector<16xi1>, vector<16xi32>
      %parallel_loop3A_112 = vector.shape_cast %parallel_loop3A_111 : vector<16xi32> to vector<16x1xi32>
      %parallel_loop3A_113 = vector.shape_cast %parallel_loop3A_112 : vector<16x1xi32> to vector<16xi32>
      %parallel_loop3A_114 = tpu.dynamic_gather %parallel_loop3A_55[%parallel_loop3A_113] in [0] : vector<16xi32>, vector<16xi32> -> vector<16xi32>
      %parallel_loop3A_115 = arith.index_cast %parallel_loop3A_43 : i32 to index
      %parallel_loop3A_116 = arith.constant 0 : index
      %parallel_loop3A_117 = tpu.vector_load %arg10[%parallel_loop3A_115, %parallel_loop3A_116] {strides = array<i32>} : memref<16x16xi32, #tpu.memory_space<vmem>>, vector<16xi32>,
      tpu.vector_store %arg10[%parallel_loop3A_115, %parallel_loop3A_116], %parallel_loop3A_114 {strides = array<i32>} : memref<16x16xi32, #tpu.memory_space<vmem>>, vector<16xi32>,
      %parallel_loop3A_118 = arith.constant 0 : i32
      %parallel_loop3A_119 = vector.broadcast %parallel_loop3A_118 : i32 to vector<16xi32>
      %parallel_loop3A_120 = arith.cmpi slt, %parallel_loop3A_66, %parallel_loop3A_119 : vector<16xi32>
      %parallel_loop3A_121 = arith.constant 16 : i32
      %parallel_loop3A_122 = vector.broadcast %parallel_loop3A_121 : i32 to vector<16xi32>
      %parallel_loop3A_123 = arith.addi %parallel_loop3A_66, %parallel_loop3A_122 : vector<16xi32>
      %parallel_loop3A_124 = arith.select %parallel_loop3A_120, %parallel_loop3A_123, %parallel_loop3A_66 : vector<16xi1>, vector<16xi32>
      %parallel_loop3A_125 = vector.shape_cast %parallel_loop3A_124 : vector<16xi32> to vector<16x1xi32>
      %parallel_loop3A_126 = vector.shape_cast %parallel_loop3A_125 : vector<16x1xi32> to vector<16xi32>
      %parallel_loop3A_127 = tpu.dynamic_gather %parallel_loop3A_59[%parallel_loop3A_126] in [0] : vector<16xf32>, vector<16xi32> -> vector<16xf32>
      %parallel_loop3A_128 = arith.index_cast %parallel_loop3A_43 : i32 to index
      %parallel_loop3A_129 = arith.constant 0 : index
      %parallel_loop3A_130 = tpu.vector_load %arg11[%parallel_loop3A_128, %parallel_loop3A_129] {strides = array<i32>} : memref<16x16xf32, #tpu.memory_space<vmem>>, vector<16xf32>,
      tpu.vector_store %arg11[%parallel_loop3A_128, %parallel_loop3A_129], %parallel_loop3A_127 {strides = array<i32>} : memref<16x16xf32, #tpu.memory_space<vmem>>, vector<16xf32>,
      %parallel_loop3A_131 = arith.index_cast %parallel_loop3A_43 : i32 to index
      %parallel_loop3A_132 = arith.constant 0 : index
      %parallel_loop3A_133 = tpu.vector_load %arg12[%parallel_loop3A_131, %parallel_loop3A_132] {strides = array<i32>} : memref<16x16xi32, #tpu.memory_space<vmem>>, vector<16xi32>,
      tpu.vector_store %arg12[%parallel_loop3A_131, %parallel_loop3A_132], %parallel_loop3A_67 {strides = array<i32>} : memref<16x16xi32, #tpu.memory_space<vmem>>, vector<16xi32>,
      %parallel_loop3A_134 = arith.constant 0 : i32
      %parallel_loop3A_135 = vector.broadcast %parallel_loop3A_134 : i32 to vector<16xi32>
      %parallel_loop3A_136 = arith.maxsi %parallel_loop3A_104, %parallel_loop3A_135 : vector<16xi32>
      %parallel_loop3A_137 = arith.index_cast %parallel_loop3A_43 : i32 to index
      %parallel_loop3A_138 = arith.constant 0 : index
      %parallel_loop3A_139 = tpu.vector_load %arg13[%parallel_loop3A_137, %parallel_loop3A_138] {strides = array<i32>} : memref<16x16xi32, #tpu.memory_space<vmem>>, vector<16xi32>,
      tpu.vector_store %arg13[%parallel_loop3A_137, %parallel_loop3A_138], %parallel_loop3A_136 {strides = array<i32>} : memref<16x16xi32, #tpu.memory_space<vmem>>, vector<16xi32>,
      %parallel_loop3A_140 = arith.constant 1 : i32
      %parallel_loop3A_141 = arith.constant 0 : i32
      %parallel_loop3A_142 = vector.broadcast %parallel_loop3A_140 : i32 to vector<16xi32>
      %parallel_loop3A_143 = vector.broadcast %parallel_loop3A_141 : i32 to vector<16xi32>
      %parallel_loop3A_144 = arith.select %parallel_loop3A_82, %parallel_loop3A_142, %parallel_loop3A_143 : vector<16xi1>, vector<16xi32>
      %parallel_loop3A_145 = arith.index_cast %parallel_loop3A_43 : i32 to index
      %parallel_loop3A_146 = arith.constant 0 : index
      %parallel_loop3A_147 = tpu.vector_load %arg14[%parallel_loop3A_145, %parallel_loop3A_146] {strides = array<i32>} : memref<16x16xi32, #tpu.memory_space<vmem>>, vector<16xi32>,
      tpu.vector_store %arg14[%parallel_loop3A_145, %parallel_loop3A_146], %parallel_loop3A_144 {strides = array<i32>} : memref<16x16xi32, #tpu.memory_space<vmem>>, vector<16xi32>,
      %parallel_loop3A_148 = arith.constant 0 : i32
      %parallel_loop3A_149 = vector.broadcast %parallel_loop3A_148 : i32 to vector<16xi32>
      %parallel_loop3A_150 = arith.cmpi sge, %parallel_loop3A_104, %parallel_loop3A_149 : vector<16xi32>
      %parallel_loop3A_151 = arith.constant 1 : i32
      %parallel_loop3A_152 = arith.constant 0 : i32
      %parallel_loop3A_153 = vector.broadcast %parallel_loop3A_151 : i32 to vector<16xi32>
      %parallel_loop3A_154 = vector.broadcast %parallel_loop3A_152 : i32 to vector<16xi32>
      %parallel_loop3A_155 = arith.select %parallel_loop3A_150, %parallel_loop3A_153, %parallel_loop3A_154 : vector<16xi1>, vector<16xi32>
      %parallel_loop3A_156 = arith.index_cast %parallel_loop3A_43 : i32 to index
      %parallel_loop3A_157 = arith.constant 0 : index
      %parallel_loop3A_158 = tpu.vector_load %arg15[%parallel_loop3A_156, %parallel_loop3A_157] {strides = array<i32>} : memref<16x16xi32, #tpu.memory_space<vmem>>, vector<16xi32>,
      tpu.vector_store %arg15[%parallel_loop3A_156, %parallel_loop3A_157], %parallel_loop3A_155 {strides = array<i32>} : memref<16x16xi32, #tpu.memory_space<vmem>>, vector<16xi32>,
    } {sc.loop_unroll_factor = 2 : i64, sc.parallel_access}
    %dma_wait3A = arith.constant 0 : i32
    %dma_wait3A_29 = arith.constant 0 : i32
    %dma_wait3A_30 = tpu.memref_slice %arg6[%dma_wait3A, %dma_wait3A_29] : memref<64x33xf32, #tpu.memory_space<vmem>> -> memref<64x32xf32, #tpu.memory_space<vmem>>
    %dma_wait3A_31 = arith.constant 0 : i32
    %dma_wait3A_32 = tpu.memref_slice %arg2[%dma_wait3A_31, %mul3A_2] : memref<64x1024xf32, #tpu.memory_space<hbm>> -> memref<64x32xf32, #tpu.memory_space<hbm>>
    %dma_wait3A_33 = arith.constant 0 : i32
    %dma_wait3A_34 = arith.constant 0 : i32
    %dma_wait3A_35 = tpu.memref_slice %arg6[%dma_wait3A_33, %dma_wait3A_34] : memref<64x33xf32, #tpu.memory_space<vmem>> -> memref<64x32xf32, #tpu.memory_space<vmem>>
    %dma_wait3A_36 = arith.constant 0 : i32
    %dma_wait3A_37 = tpu.memref_slice %arg2[%dma_wait3A_36, %mul3A_2] : memref<64x1024xf32, #tpu.memory_space<hbm>> -> memref<64x32xf32, #tpu.memory_space<hbm>>
    tpu.wait_dma2 semaphore(%arg16 : memref<!tpu.dma_semaphore, #tpu.memory_space<semaphore_mem>>) src(%dma_wait3A_37 : memref<64x32xf32, #tpu.memory_space<hbm>>) dst(%dma_wait3A_35 : memref<64x32xf32, #tpu.memory_space<vmem>>)
    %scan3A = arith.constant 0 : i32
    %scan3A_38 = arith.constant 0 : i32
    %scan3A_39 = arith.constant 16 : i32
    %scan3A_40 = arith.addi %scan3A_38, %scan3A_39 : i32
    %scan3A_41 = arith.constant 1 : i32
    scf.for %scan3A_43 = %scan3A_38 to %scan3A_40 step %scan3A_41  : i32 {
      %get3A = arith.index_cast %scan3A_43 : i32 to index
      %get3A_44 = arith.constant 0 : index
      %get3A_45 = tpu.vector_load %arg10[%get3A, %get3A_44] {strides = array<i32>} : memref<16x16xi32, #tpu.memory_space<vmem>>, vector<16xi32>,
      %get3A_46 = arith.index_cast %scan3A_43 : i32 to index
      %get3A_47 = arith.constant 0 : index
      %get3A_48 = tpu.vector_load %arg11[%get3A_46, %get3A_47] {strides = array<i32>} : memref<16x16xf32, #tpu.memory_space<vmem>>, vector<16xf32>,
      %get3A_49 = arith.index_cast %scan3A_43 : i32 to index
      %get3A_50 = arith.constant 0 : index
      %get3A_51 = tpu.vector_load %arg12[%get3A_49, %get3A_50] {strides = array<i32>} : memref<16x16xi32, #tpu.memory_space<vmem>>, vector<16xi32>,
      %get3A_52 = arith.index_cast %scan3A_43 : i32 to index
      %get3A_53 = arith.constant 0 : index
      %get3A_54 = tpu.vector_load %arg13[%get3A_52, %get3A_53] {strides = array<i32>} : memref<16x16xi32, #tpu.memory_space<vmem>>, vector<16xi32>,
      %get3A_55 = arith.index_cast %scan3A_43 : i32 to index
      %get3A_56 = arith.constant 0 : index
      %get3A_57 = tpu.vector_load %arg14[%get3A_55, %get3A_56] {strides = array<i32>} : memref<16x16xi32, #tpu.memory_space<vmem>>, vector<16xi32>,
      %ne3A = arith.constant 0 : i32
      %ne3A_58 = vector.broadcast %ne3A : i32 to vector<16xi32>
      %ne3A_59 = arith.cmpi ne, %get3A_57, %ne3A_58 : vector<16xi32>
      %get3A_60 = arith.index_cast %scan3A_43 : i32 to index
      %get3A_61 = arith.constant 0 : index
      %get3A_62 = tpu.vector_load %arg15[%get3A_60, %get3A_61] {strides = array<i32>} : memref<16x16xi32, #tpu.memory_space<vmem>>, vector<16xi32>,
      %ne3A_63 = arith.constant 0 : i32
      %ne3A_64 = vector.broadcast %ne3A_63 : i32 to vector<16xi32>
      %ne3A_65 = arith.cmpi ne, %get3A_62, %ne3A_64 : vector<16xi32>
      %parallel_loop3A_66 = arith.constant 0 : i32
      %parallel_loop3A_67 = arith.constant 32 : i32
      %parallel_loop3A_68 = arith.constant 1 : i32
      scf.for %parallel_loop3A_69 = %parallel_loop3A_66 to %parallel_loop3A_67 step %parallel_loop3A_68  : i32 {
        %parallel_loop3A_70 = vector.broadcast %parallel_loop3A_69 : i32 to vector<16xi32>
        %parallel_loop3A_71 = tpu.vector_load_idx %arg6[%get3A_45, %parallel_loop3A_70] : memref<64x33xf32, #tpu.memory_space<vmem>>[vector<16xi32>, vector<16xi32>], vector<16xf32>,
        %parallel_loop3A_72 = arith.mulf %get3A_48, %parallel_loop3A_71 : vector<16xf32>
        %parallel_loop3A_73 = arith.constant true
        %parallel_loop3A_74 = vector.broadcast %parallel_loop3A_73 : i1 to vector<16xi1>
        %parallel_loop3A_75 = tpu.scan <sum>, %parallel_loop3A_72 masked %parallel_loop3A_74 : vector<16xf32>, vector<16xi1> -> vector<16xf32>
        %parallel_loop3A_76 = arith.constant 0 : i32
        %parallel_loop3A_77 = vector.broadcast %parallel_loop3A_76 : i32 to vector<16xi32>
        %parallel_loop3A_78 = arith.cmpi slt, %get3A_54, %parallel_loop3A_77 : vector<16xi32>
        %parallel_loop3A_79 = arith.constant 16 : i32
        %parallel_loop3A_80 = vector.broadcast %parallel_loop3A_79 : i32 to vector<16xi32>
        %parallel_loop3A_81 = arith.addi %get3A_54, %parallel_loop3A_80 : vector<16xi32>
        %parallel_loop3A_82 = arith.select %parallel_loop3A_78, %parallel_loop3A_81, %get3A_54 : vector<16xi1>, vector<16xi32>
        %parallel_loop3A_83 = vector.shape_cast %parallel_loop3A_82 : vector<16xi32> to vector<16x1xi32>
        %parallel_loop3A_84 = vector.shape_cast %parallel_loop3A_83 : vector<16x1xi32> to vector<16xi32>
        %parallel_loop3A_85 = tpu.dynamic_gather %parallel_loop3A_75[%parallel_loop3A_84] in [0] : vector<16xf32>, vector<16xi32> -> vector<16xf32>
        %parallel_loop3A_86 = arith.constant 0.000000e+00 : f32
        %parallel_loop3A_87 = vector.broadcast %parallel_loop3A_86 : f32 to vector<16xf32>
        %parallel_loop3A_88 = arith.select %ne3A_65, %parallel_loop3A_85, %parallel_loop3A_87 : vector<16xi1>, vector<16xf32>
        %parallel_loop3A_89 = arith.subf %parallel_loop3A_75, %parallel_loop3A_88 : vector<16xf32>
        tpu.vector_store_idx %arg9[%get3A_51, %parallel_loop3A_70], %parallel_loop3A_89 masked %ne3A_59 {add = true} : memref<64x33xf32, #tpu.memory_space<vmem>>[vector<16xi32>, vector<16xi32>], vector<16xf32>, vector<16xi1>
      } {sc.loop_unroll_factor = 2 : i64, sc.parallel_access}
    }
    %scan3A_42 = arith.constant 16 : i32
    "tpu.region"() ({
      %run_scoped3A = tpu.sem_alloc : memref<!tpu.dma_semaphore, #tpu.memory_space<semaphore_mem>>
      %dma_start3A_43 = arith.constant 0 : i32
      %dma_start3A_44 = arith.constant 0 : i32
      %dma_start3A_45 = tpu.memref_slice %arg9[%dma_start3A_43, %dma_start3A_44] : memref<64x33xf32, #tpu.memory_space<vmem>> -> memref<64x32xf32, #tpu.memory_space<vmem>>
      %dma_start3A_46 = arith.constant 0 : i32
      %dma_start3A_47 = tpu.memref_slice %arg5[%dma_start3A_46, %mul3A_2] : memref<64x1024xf32, #tpu.memory_space<hbm>> -> memref<64x32xf32, #tpu.memory_space<hbm>>
      %dma_start3A_48 = arith.constant 0 : i32
      %dma_start3A_49 = tpu.memref_slice %arg5[%dma_start3A_48, %mul3A_2] : memref<64x1024xf32, #tpu.memory_space<hbm>> -> memref<64x32xf32, #tpu.memory_space<hbm>>
      %dma_start3A_50 = arith.constant 0 : i32
      %dma_start3A_51 = arith.constant 0 : i32
      %dma_start3A_52 = tpu.memref_slice %arg9[%dma_start3A_50, %dma_start3A_51] : memref<64x33xf32, #tpu.memory_space<vmem>> -> memref<64x32xf32, #tpu.memory_space<vmem>>
      tpu.enqueue_dma source(%dma_start3A_52 : memref<64x32xf32, #tpu.memory_space<vmem>>) target(%dma_start3A_49 : memref<64x32xf32, #tpu.memory_space<hbm>>) target_semaphore(%run_scoped3A : memref<!tpu.dma_semaphore, #tpu.memory_space<semaphore_mem>>)
      %dma_wait3A_53 = arith.constant 0 : i32
      %dma_wait3A_54 = arith.constant 0 : i32
      %dma_wait3A_55 = tpu.memref_slice %arg9[%dma_wait3A_53, %dma_wait3A_54] : memref<64x33xf32, #tpu.memory_space<vmem>> -> memref<64x32xf32, #tpu.memory_space<vmem>>
      %dma_wait3A_56 = arith.constant 0 : i32
      %dma_wait3A_57 = tpu.memref_slice %arg5[%dma_wait3A_56, %mul3A_2] : memref<64x1024xf32, #tpu.memory_space<hbm>> -> memref<64x32xf32, #tpu.memory_space<hbm>>
      %dma_wait3A_58 = arith.constant 0 : i32
      %dma_wait3A_59 = tpu.memref_slice %arg5[%dma_wait3A_58, %mul3A_2] : memref<64x1024xf32, #tpu.memory_space<hbm>> -> memref<64x32xf32, #tpu.memory_space<hbm>>
      %dma_wait3A_60 = arith.constant 0 : i32
      %dma_wait3A_61 = arith.constant 0 : i32
      %dma_wait3A_62 = tpu.memref_slice %arg9[%dma_wait3A_60, %dma_wait3A_61] : memref<64x33xf32, #tpu.memory_space<vmem>> -> memref<64x32xf32, #tpu.memory_space<vmem>>
      tpu.wait_dma2 semaphore(%run_scoped3A : memref<!tpu.dma_semaphore, #tpu.memory_space<semaphore_mem>>) src(%dma_wait3A_62 : memref<64x32xf32, #tpu.memory_space<vmem>>) dst(%dma_wait3A_59 : memref<64x32xf32, #tpu.memory_space<hbm>>)
      tpu.yield
    }) : () -> ()
    return
  }
}

</mosaic_0001>

<sc_bundles>
// kernel: kernel.3.cloned.1.call-start
scs
__scs_entry_jumppad:
0x0: {  	(pc) =	sbr.rel $0x88, $3  }
0x1: {  	(tag) =	ssettag $0x0;
	lr =	simm.s32 $0x1  }
0x2: {  	[smem:$0x3F9E] =	sst lr;
	_ =	strace $0xD0000000  }
0x3: {  	_ = 	snop  }
0x4: {  	_ = 	snop  }
0x5: {  	_ = 	snop  }
0x6: {  	_ = 	snop  }
0x7: {  	_ = 	snop  }
__scs_overlays_trampoline_lowered:
0x8: {  	[smem:$0x3FAD] =	sst s0  }
0x9: {  	[smem:$0x3FAE] =	sst s1  }
0xa: {  	[smem:$0x3FAF] =	sst s2  }
0xb: {  	[smem:$0x3FB0] =	sst s3  }
0xc: {  	[smem:$0x3FB1] =	sst s4  }
0xd: {  	[smem:$0x3FB2] =	sst s5  }
0xe: {  	[smem:$0x3FB3] =	sst s6  }
0xf: {  	[smem:$0x3FB4] =	sst s7  }
0x10: {  	[smem:$0x3FB5] =	sst s8  }
0x11: {  	[smem:$0x3FB6] =	sst s9;
	s0 =	simm.s32 @!p0 $0x0  }
0x12: {  	s1 =	sld [smem:$0x3F9C];
	s0 =	simm.s32 @p0 $0x1  }
0x13: {  	[smem:$0x3FB7] =	sst s0;
	s0 =	simm.s32 @!p1 $0x0  }
0x14: {  	s2 =	sld [smem:$0x3F9B];
	s0 =	simm.s32 @p1 $0x1  }
0x15: {  	[smem:$0x3FB8] =	sst s0;
	s0 =	simm.s32 @!p2 $0x0  }
0x16: {  	s3 =	sld [smem:$0x3FDB];
	s0 =	simm.s32 @p2 $0x1  }
0x17: {  	s4 =	simm.s32 $0x1BF5;
	[smem:$0x3FBA] =	sst s0  }
0x18: {  	s0 =	sld [smem:$0x3F9D];
	_ =	swait.ge [sflag:s4], $0x0  }
0x19: {  	s7 =	sld [smem:$0x3F9E]  }
0x1a: {  	s8 =	sadd.s32 $0xFFFFE003, lr  }
0x1b: {  	s9 =	sadd.s32 $0xFFFFFEF7, lr;
	s5 =	simm.s32 $0xFFFFFFFF;
	p2 =	slt.u32 s8, $0xFFFFF086  }
0x1c: {  	p1 =	slt.u32 s9, $0xF7A;
	s5 =	simm.s32 @!p2 $0x0  }
0x1d: {  	s5 =	simm.s32 @p1 $0x1;
	p0 =	seq.s32 s7, s2  }
0x1e: {  	s7 =	smul.u32 @!p0 $0xF7A, s2;
	p2 =	seq.s32 @!p0 s5, $0x0  }
0x1f: {  	s9 =	smul.u32 $0xF7A, s1;
	s8 =	simm.s32 @!p0 $0x1BF5;
	p2 =	por !p2, p0  }
0x20: {  	[sflag:s8] =	ssyncset.s32 @!p0 $0xFFFFF086;
	s6 =	sadd.s32 @!p0 s3, s7;
	s7 =	simm.s32 @!p0 $0x108  }
0x21: {  	s3 =	sadd.s32 s3, s9;
	s6 =	sadd.s32 @!p0 $0x88, s6;
	s7 =	simm.s32 @p2 $0x1082  }
0x22: {  	[simem:s7], [sflag:s8] =	dma.local @!p0 [hbm:s6], $0xF7A  }
0x23: {  	s9 =	sor.u32 $0xD0000000, s2;
	s6 =	simm.s32 $0x108;
	_ =	swait.ge @!p0 [sflag:s8], $0x0  }
0x24: {  	s3 =	sadd.s32 $0x88, s3;
	s6 =	simm.s32 @!p1 $0x1082;
	[sflag:s4] =	ssyncset.s32 $0xFFFFF086  }
0x25: {  	[simem:s6], [sflag:s4] =	dma.local [hbm:s3], $0xF7A  }
0x26: {  	[smem:$0x3F9E] =	sst s1;
	(tag) =	ssettag s2;
	_ =	strace s9  }
0x27: {  	s1 =	sld [smem:$0x3FAE]  }
0x28: {  	s2 =	sld [smem:$0x3FAF]  }
0x29: {  	s4 =	sld [smem:$0x3FB1]  }
0x2a: {  	p0 =	seq.s32 s5, $0x0;
	s5 =	sld [smem:$0x3FB2]  }
0x2b: {  	s6 =	sld [smem:$0x3FB3]  }
0x2c: {  	s7 =	sld [smem:$0x3FB4]  }
0x2d: {  	s3 =	simm.s32 $0x108;
	s8 =	sld [smem:$0x3FB5]  }
0x2e: {  	s3 =	simm.s32 @!p0 $0x1082;
	s9 =	sld [smem:$0x3FB6]  }
0x2f: {  	lr =	sadd.s32 s0, s3;
	s0 =	sld [smem:$0x3FAD]  }
0x30: {  	s3 =	sld [smem:$0x3FB0]  }
0x31: {  	[smem:$0x3FB9] =	sst s10  }
0x32: {  	s10 =	sld [smem:$0x3FB7];
	_ =	sdelay $0x3  }
0x33: {  	p0 =	seq.s32 s10, $0x1;
	s10 =	sld [smem:$0x3FB9];
	_ =	sdelay $0x3  }
0x34: {  	[smem:$0x3FB9] =	sst s10  }
0x35: {  	s10 =	sld [smem:$0x3FB8];
	_ =	sdelay $0x3  }
0x36: {  	p1 =	seq.s32 s10, $0x1;
	s10 =	sld [smem:$0x3FB9];
	_ =	sdelay $0x3  }
0x37: {  	[smem:$0x3FB9] =	sst s10  }
0x38: {  	s10 =	sld [smem:$0x3FBA]  }
0x39: {  	_ = 	snop;
	(pc) =	sbr.ind lr, $3  }
0x3a: {  	_ = 	snop  }
0x3b: {  	_ = 	snop  }
0x3c: {  	p2 =	seq.s32 s10, $0x1;
	s10 =	sld [smem:$0x3FB9]  }
0x3d: {  	_ =	shalt  }
0x3e: {  	_ =	shalt  }
0x3f: {  	_ =	shalt  }
0x40: {  	_ =	shalt  }
0x41: {  	_ =	shalt  }
0x42: {  	_ =	shalt  }
0x43: {  	_ =	shalt  }
0x44: {  	_ =	shalt  }
0x45: {  	_ =	shalt  }
0x46: {  	_ =	shalt  }
0x47: {  	_ =	shalt  }
0x48: {  	_ =	shalt  }
0x49: {  	_ =	shalt  }
0x4a: {  	_ =	shalt  }
0x4b: {  	_ =	shalt  }
0x4c: {  	_ =	shalt  }
0x4d: {  	_ =	shalt  }
0x4e: {  	_ =	shalt  }
0x4f: {  	_ =	shalt  }
0x50: {  	_ =	shalt  }
0x51: {  	_ =	shalt  }
0x52: {  	_ =	shalt  }
0x53: {  	_ =	shalt  }
0x54: {  	_ =	shalt  }
0x55: {  	_ =	shalt  }
0x56: {  	_ =	shalt  }
0x57: {  	_ =	shalt  }
0x58: {  	_ =	shalt  }
0x59: {  	_ =	shalt  }
0x5a: {  	_ =	shalt  }
0x5b: {  	_ =	shalt  }
0x5c: {  	_ =	shalt  }
0x5d: {  	_ =	shalt  }
0x5e: {  	_ =	shalt  }
0x5f: {  	_ =	shalt  }
0x60: {  	_ =	shalt  }
0x61: {  	_ =	shalt  }
0x62: {  	_ =	shalt  }
0x63: {  	_ =	shalt  }
0x64: {  	_ =	shalt  }
0x65: {  	_ =	shalt  }
0x66: {  	_ =	shalt  }
0x67: {  	_ =	shalt  }
0x68: {  	_ =	shalt  }
0x69: {  	_ =	shalt  }
0x6a: {  	_ =	shalt  }
0x6b: {  	_ =	shalt  }
0x6c: {  	_ =	shalt  }
0x6d: {  	_ =	shalt  }
0x6e: {  	_ =	shalt  }
0x6f: {  	_ =	shalt  }
0x70: {  	_ =	shalt  }
0x71: {  	_ =	shalt  }
0x72: {  	_ =	shalt  }
0x73: {  	_ =	shalt  }
0x74: {  	_ =	shalt  }
0x75: {  	_ =	shalt  }
0x76: {  	_ =	shalt  }
0x77: {  	_ =	shalt  }
0x78: {  	_ =	shalt  }
0x79: {  	_ =	shalt  }
0x7a: {  	_ =	shalt  }
0x7b: {  	_ =	shalt  }
0x7c: {  	_ =	shalt  }
0x7d: {  	_ =	shalt  }
0x7e: {  	_ =	shalt  }
0x7f: {  	_ =	shalt  }
0x80: {  	_ =	shalt  }
0x81: {  	_ =	shalt  }
0x82: {  	_ =	shalt  }
0x83: {  	_ =	shalt  }
0x84: {  	_ =	shalt  }
0x85: {  	_ =	shalt  }
0x86: {  	_ =	shalt  }
0x87: {  	_ =	shalt  }
.Lfunc_end0:
.L_simem_size_0:
called_computation_lowered:
.L_overlay_start_0:
0x88: {  	s2 =	sld [smem:$0x3FD9]  }
0x89: {  	s3 =	sld [smem:$0x3FFE];
	_ =	sdelay $0x1  }
0x8a: {  	s1 =	srdreg.scid  }
0x8b: {  	s0 =	sand.u32 $0x1, s1  }
0x8c: {  	s17 =	sshll.u32 s0, $0xA;
	s2 =	sadd.s32 s3, s2  }
0x8d: {  	s2 =	sadd.s32 s2, s17  }
0x8e: {  	[smem:$0x3FC5] =	sst s2  }
0x8f: {  	_ = 	snop  }
0x90: {  	s2 =	sld [smem:$0x3FC7]  }
0x91: {  	s18 =	sld [smem:$0x3FD0];
	(tm) =	ssettm $0x1  }
0x92: {  	s4 =	sld [smem:$0x3FFB];
	_ =	sdelay $0x3  }
0x93: {  	_ =	strace s4  }
0x94: {  	s4 =	sld [smem:$0x3FFC];
	_ =	sdelay $0x3  }
0x95: {  	_ =	strace s4  }
0x96: {  	s4 =	sld [smem:$0x3FFD];
	_ =	sdelay $0x3  }
0x97: {  	_ =	strace s4  }
0x98: {  	_ =	strace $0x8FFFFFFF  }
0x99: {  	s19 =	sld [smem:$0x3FDB];
	_ =	sdelay $0x1  }
0x9a: {  	s5 =	simm.s32 $_scs_section_size  }
0x9b: {  	s6 =	simm.s32 $_size__tile_overlayer_lowered;
	s7 =	simm.s32 $_tile_overlayer_lowered  }
0x9c: {  	s22 =	simm.s32 $0x1BFF;
	s21 =	sshll.u32 s7, $0x1;
	s4 =	sadd.s32 s5, s19  }
0x9d: {  	s8 =	simm.s32 $0x0;
	s20 =	sshll.u32 s6, $0x1;
	s6 =	sadd.s32 s21, s4  }
0x9e: {  	[timem:s8], [sflag:s22] =	dma.local [hbm:s6], s20  }
0x9f: {  	_ =	swait.ge [sflag:s22], s20  }
0xa0: {  	s5 =	ssub.s32 $0x0, s20;
	[sflag:s22] =	ssyncset.done $0x0  }
0xa1: {  	[sflag:s22] =	ssyncadd.s32 s5;
	_ =	sdelay $0x1  }
0xa2: {  	s23 =	simm.s32 $0x1B8B  }
0xa3: {  	_ =	swait.ge [sflag:s23], $0x1  }
0xa4: {  	[sflag:s23] =	ssyncset.done $0x0  }
0xa5: {  	s25 =	simm.s32 $0x1B8E;
	s24 =	sld [smem:$0x3FFE];
	[sflag:s23] =	ssyncadd.s32 $0xFFFFFFFF  }
0xa6: {  	s26 =	simm.s32 $execute0_lowered;
	[smem:$0x3FD2] =	sst s25  }
0xa7: {  	s6 =	sshll.u32 s26, $0x1;
	_ =	strace $0x80000046;
	[dreg:$0x1] =	wrdreg $0xFFFFFFFF  }
0xa8: {  	s28 =	simm.s32 $_size_execute0_lowered;
	s4 =	sadd.s32 s4, s6;
	[dreg:$0x0] =	wrdreg $0x0  }
0xa9: {  	s6 =	sshll.u32 s28, $0x1;
	[dreg:$0x2] =	wrdreg s4  }
0xaa: {  	[dreg:$0x3] =	wrdreg s6  }
0xab: {  	[dreg:$0x4] =	wrdreg $0xC0  }
0xac: {  	_ =	task [dreg:s8], $0x5FFFF  }
0xad: {  	[dreg:$0x1] =	wrdreg $0xFFFFFFFF  }
0xae: {  	[dreg:$0x0] =	wrdreg $0x60  }
0xaf: {  	[dreg:$0x2] =	wrdreg s18  }
0xb0: {  	[dreg:$0x3] =	wrdreg s24  }
0xb1: {  	[dreg:$0x4] =	wrdreg s2  }
0xb2: {  	[dreg:$0x5] =	wrdreg $0x9  }
0xb3: {  	_ =	task.clear_ibuf [dreg:s8], $0x6FFFF;
	_ =	strace $0x90000046  }
0xb4: {  	s29 =	simm.s32 $0x9;
	_ =	strace $0x80000048  }
0xb5: {  	_ =	swait.ge [sflag:s29], $0x1  }
0xb6: {  	[sflag:s29] =	ssyncadd.s32 $0xFFFFFFFF  }
0xb7: {  	_ =	strace $0x90000048  }
0xb8: {  	_ =	sfence  }
0xb9: {  	s30 =	sld [smem:$0x0];
	_ =	sdelay $0x2  }
0xba: {  	s31 =	sshll.u32 s1, $0xD;
	s1 =	sshrl.u32 s1, $0x2  }
0xbb: {  	s3 =	sand.u32 $0x4000, s31;
	s1 =	sadd.s32 s1, s30  }
0xbc: {  	s0 =	sor.u32 s3, s0;
	s1 =	sshll.u32 s1, $0x11  }
0xbd: {  	s0 =	sor.u32 s1, s0  }
0xbe: {  	s0 =	sadd.s32 $0x8F2B, s0  }
0xbf: {  	[sflag:s0] =	ssyncadd.remote.s32 $0x1  }
0xc0: {  	_ =	sfence.sel $0xFFFF  }
0xc1: {  	[dreg:$0x0] =	wrdreg $0xFFFFFFFF;
	(pc) =	sbr.abs _section_cstart, $3  }
0xc2: {  	[dreg:$0x1] =	wrdreg $0xFFFFFFFF  }
0xc3: {  	_ =	task.clear_ibuf [dreg:s8], $0x2FFFF;
	_ =	strace $0x9FFFFFFF  }
0xc4: {  	(tm) =	ssettm $0x7FFFFFFF  }
0xc5: {  	_ =	shalt  }
tec
execute0_lowered:
.L_overlay_start_1:
0x0: {  	(tag) =	ssettag $0x1  }
0x1: {  	s5 =	rddreg [dreg:$0x0]  }
0x2: {  	s6 =	rddreg [dreg:$0x1];
	v0 =	vimm.s32 $0xFFEDCBA9  }
0x3: {  	s1 =	rddreg [dreg:$0x2];
	v1 =	vimm.s32 $0x87654321;
	v0 =	vunpack.c.l.s4.s8 v0  }
0x4: {  	s0 =	rddreg [dreg:$0x3];
	s4 =	srdreg.scid;
	v1 =	vunpack.c.l.s4.s8 v1  }
0x5: {  	s3 =	simm.s32 $0x0;
	s2 =	stileid.u32;
	s10 =	simm.s32 $0x2;
	v2 =	vunpack.c.0.s8.s32 v0;
	v0 =	vimm.s32 $0xEDCBA987  }
0x6: {  	s11 =	simm.s32 $0x3;
	s12 =	simm.s32 $0x1;
	s13 =	simm.s32 $0xD00;
	v3 =	vunpack.c.0.s8.s32 v1;
	v1 =	vimm.s32 $0x65432100;
	v4 =	vunpack.c.l.s4.s8 v0  }
0x7: {  	s14 =	simm.s32 $0x4;
	s15 =	simm.s32 $0x0;
	s4 =	sand.u32 $0x1, s4;
	v5 =	vunpack.c.l.s4.s8 v1  }
0x8: {  	[smem:$0x7FF] =	sst s3;
	s7 =	sshll.u32 s2, $0x3;
	s8 =	sshll.u32 s4, $0x2;
	v4 =	vunpack.c.0.s8.s32 v4  }
0x9: {  	vm0 =	vcmask $0x3B00;
	_ =	strace $0x80000047;
	s31 =	ssub.s32 $0x2, s4;
	s7 =	sor.u32 s8, s7;
	v0 =	vimm.f32 $0.0e+00;
	v5 =	vunpack.c.0.s8.s32 v5  }
0xa: {  	s4 =	sadd.s32 $0x600, s6;
	s9 =	sshrl.u32 s31, $0x1;
	s6 =	sadd.s32 s7, s6;
	v2 =	vcombine.low v3, v2;
	v3 =	vimm.s32 $0xF;
	v4 =	vand.u32 $0xF, v4  }
0xb: {  	s8 =	ssub.s32 s31, s9;
	s5 =	sadd.s32 s5, s7;
	v1 =	vlaneseq.u32;
	s9 =	simm.s32 $0xC00;
	v3 =	vsel vm0, $0xFFFFFFFF, v3;
	v4 =	vcombine.low v5, v4  }
0xc: {  	s6 =	sadd.s32 $0x800, s6;
	s7 =	smax.u32 s8, $0x1;
	s8 =	simm.s32 $0xA00;
	vm0 =	vcmask $0x3F3C;
	v2 =	vand.u32 $0xF, v2;
	v5 =	vimm.s32 $0x0  }
.LBB2_1:
0xd: {  	s16 =	simm.s32 $0x80  }
0xe: {  	s19 =	sadd.s32 $0x0, s5;
	s17 =	simm.s32 $0x28;
	s18 =	simm.s32 $0x0  }
.LBB2_2:
0xf: {  	[tilespmem:s18], [sflag:$0x1] =	stream.linear.gather [hbm4b:s19+s3], $0x20, $0x38;
	[tilespmem:$0x1D00] =	vst v63  }
0x10: {  	s19 =	smov.u32 s16;
	s18 =	smov.u32 s17;
	p0 =	sne.s32 s16, $0x1F80  }
.Ltmp0:
0x11: {  	s16 =	sadd.s32 $0x80, s16;
	(pc) =	sbr.rel @p0 .LBB2_2-.Ltmp0, $2  }
0x12: {  	_ =	sdelay $0x2  }
0x13: {  	s17 =	sadd.s32 $0x28, s17;
	s19 =	sadd.s32 s19, s5  }
0x14: {  	[tilespmem:s18], [sflag:$0x1] =	stream.linear.gather [hbm4b:s19+s3], $0x20, $0x38;
	[tilespmem:$0x1D00] =	vst v63  }
0x15: {  	_ = 	snop  }
0x16: {  	[tilespmem:s8], [sflag:$0x2] =	stream.linear.gather [hbm4b:s4+s3], $0x200, $0x38;
	[tilespmem:$0x1D00] =	vst v63  }
0x17: {  	s16 =	simm.s32 $0xDA0  }
0x18: {  	[tilespmem:s9], [sflag:$0x3] =	stream.linear.gather [hbm4b:s1+s3], $0x100, $0x38;
	[tilespmem:$0x1D00] =	vst v63  }
0x19: {  	[tilespmem:s16+$0xFFFFFF60] =	vst v0  }
0x1a: {  	[tilespmem:s16+$0x88] =	vst v0  }
0x1b: {  	[tilespmem:s16+$0x78] =	vst v0  }
0x1c: {  	[tilespmem:s16+$0x60] =	vst v0  }
0x1d: {  	[tilespmem:s16+$0x50] =	vst v0  }
0x1e: {  	[tilespmem:s16+$0x38] =	vst v0  }
0x1f: {  	[tilespmem:s16+$0x28] =	vst v0  }
0x20: {  	[tilespmem:s16+$0x10] =	vst v0  }
0x21: {  	[tilespmem:s16+$0x0] =	vst v0  }
0x22: {  	[tilespmem:s16+$0xFFFFFFE8] =	vst v0  }
0x23: {  	[tilespmem:s16+$0xFFFFFFD8] =	vst v0  }
0x24: {  	[tilespmem:s16+$0xFFFFFFC0] =	vst v0  }
0x25: {  	[tilespmem:s16+$0xFFFFFFB0] =	vst v0  }
0x26: {  	[tilespmem:s16+$0xFFFFFF98] =	vst v0  }
0x27: {  	s17 =	simm.s32 $0x0;
	[tilespmem:s16+$0xFFFFFF88] =	vst v0  }
.LBB2_4:
0x28: {  	s17 =	sadd.s32 $0x8, s17;
	[tilespmem:s16+$0xFFFFFF70] =	vst v0;
	s16 =	sadd.s32 $0x140, s16  }
0x29: {  	[tilespmem:s16+$0xFFFFFF60] =	vst v0;
	p0 =	slt.u32 s17, $0x38  }
0x2a: {  	[tilespmem:s16+$0x88] =	vst v0  }
0x2b: {  	[tilespmem:s16+$0x78] =	vst v0  }
0x2c: {  	[tilespmem:s16+$0x60] =	vst v0  }
0x2d: {  	[tilespmem:s16+$0x50] =	vst v0  }
0x2e: {  	[tilespmem:s16+$0x38] =	vst v0  }
0x2f: {  	[tilespmem:s16+$0x28] =	vst v0  }
0x30: {  	[tilespmem:s16+$0x10] =	vst v0  }
0x31: {  	[tilespmem:s16+$0x0] =	vst v0  }
0x32: {  	[tilespmem:s16+$0xFFFFFFE8] =	vst v0  }
.Ltmp1:
0x33: {  	[tilespmem:s16+$0xFFFFFFD8] =	vst v0;
	(pc) =	sbr.rel @p0 .LBB2_4-.Ltmp1, $4  }
0x34: {  	[tilespmem:s16+$0xFFFFFFC0] =	vst v0  }
0x35: {  	[tilespmem:s16+$0xFFFFFFB0] =	vst v0  }
0x36: {  	[tilespmem:s16+$0xFFFFFF98] =	vst v0  }
0x37: {  	[tilespmem:s16+$0xFFFFFF88] =	vst v0  }
0x38: {  	[tilespmem:s16+$0xFFFFFF70] =	vst v0  }
0x39: {  	_ =	swait.ge [sflag:s10], $0x200  }
0x3a: {  	[sflag:s10] =	ssyncset.done $0x0  }
0x3b: {  	[sflag:s10] =	ssyncadd.s32 $0xFFFFFE00  }
0x3c: {  	_ =	swait.ge [sflag:s11], $0x100  }
0x3d: {  	[sflag:s11] =	ssyncset.done $0x0  }
0x3e: {  	s18 =	simm.s32 $0x0;
	[sflag:s11] =	ssyncadd.s32 $0xFFFFFF00  }
0x3f: {  	v6 =	vld [tilespmem:s18+$0xA10]  }
0x40: {  	v7 =	vld [tilespmem:s18+$0xA00];
	_ =	sdelay $0x3  }
0x41: {  	v6 =	vxor.u32 $0x80000000, v6  }
0x42: {  	(xrf1) =	vsort.ascd.msk.u32 $0xffff, v6, v1;
	v6 =	vxor.u32 $0x80000000, v7  }
0x43: {  	(xrf1) =	vsort.ascd.msk.u32 $0xffff, v6, v1;
	_ =	sdelay $0x3  }
0x44: {  	s17 =	simm.s32 $0x20  }
0x45: {  	v6 =	vld [tilespmem:s17+$0xA10];
	_ =	sdelay $0x2  }
0x46: {  	v7 =	vld [tilespmem:s17+$0xA00];
	_ =	sdelay $0x1  }
0x47: {  	v6 =	vxor.u32 $0x80000000, v6;
	_ =	sdelay $0x2  }
0x48: {  	v7 =	vxor.u32 $0x80000000, v7;
	(xrf1) =	vsort.ascd.msk.u32 $0xffff, v6, v1;
	v6, v8, _ =	vpop (xrf1)  }
0x49: {  	(xrf1) =	vsort.ascd.msk.u32 $0xffff, v7, v1;
	v6 =	vxor.u32 $0x80000000, v6;
	v9, v10, _ =	vpop (xrf1)  }
0x4a: {  	v7 =	vperm.xlane v6, v2;
	v9 =	vxor.u32 $0x80000000, v9  }
0x4b: {  	v12 =	vperm.xlane v9, v2  }
0x4c: {  	v11 =	vld [tilespmem:s18+$0xB00];
	vm2 =	vne.s32 v6, v7  }
0x4d: {  	s16 =	simm.s32 $0x40;
	v14 =	vld [tilespmem:s18+$0xB10];
	v17 =	vshrl.u32 v10, $0x1B;
	v13 =	vsel vm2, v1, v3;
	vm3 =	vne.s32 v9, v12  }
0x4e: {  	v18 =	vld [tilespmem:s16+$0xA10];
	v12 =	vand.u32 $0x10, v17;
	v13 =	vperm.xlane v13, v4;
	v17 =	vsel vm3, v1, v3  }
0x4f: {  	vm1 =	veq.s32 v1, $0x0;
	v15 =	vld [tilespmem:s18+$0xC10];
	v17 =	vperm.xlane v17, v4  }
0x50: {  	v19 =	vld [tilespmem:s16+$0xA00];
	v13 =	vsel vm1, $0xFFFFFFFF, v13  }
0x51: {  	v16 =	vshrl.u32 v8, $0x1B;
	[tilespmem:s18+$0x1900] =	vst v9;
	v7 =	vld [tilespmem:s18+$0xC00];
	v13 =	vxor.u32 $0x80000000, v13;
	v9 =	vsel vm1, $0xFFFFFFFF, v17  }
0x52: {  	v16 =	vand.u32 $0x10, v16;
	[tilespmem:s18+$0x1910] =	vst v6;
	(xrf0) =	vmax.scan.msk.u32 $0xffff, v13;
	v6 =	vxor.u32 $0x80000000, v9  }
0x53: {  	v8 =	vadd.s32 v8, v16;
	vm2 =	vmor vm2, vm0;
	(xrf0) =	vmax.scan.msk.u32 $0xffff, v6;
	v6 =	vxor.u32 $0x80000000, v18  }
0x54: {  	v24 =	vperm.xlane v14, v8;
	v14 =	vperm.xlane v15, v8;
	v8 =	vsel vm2, $0x1, v5  }
0x55: {  	v10 =	vadd.s32 v10, v12;
	vm3 =	vmor vm3, vm0;
	[tilespmem:s18+$0x1B10] =	vst v8;
	v8 =	vld [tilespmem:s16+$0xB10]  }
0x56: {  	v12 =	vxor.u32 $0x80000000, v19;
	v22 =	vperm.xlane v7, v10;
	v9 =	vperm.xlane v11, v10;
	v10 =	vld [tilespmem:s17+$0xB00];
	(xrf1) =	vsort.ascd.msk.u32 $0xffff, v6, v1;
	v6, v17, _ =	vpop (xrf1)  }
0x57: {  	v7 =	vsel vm3, $0x1, v5;
	v11 =	vld [tilespmem:s17+$0xC00];
	(xrf1) =	vsort.ascd.msk.u32 $0xffff, v12, v1;
	v16 =	vxor.u32 $0x80000000, v6;
	v18 =	vshrl.u32 v17, $0x1B;
	v6, v20, _ =	vpop (xrf1)  }
0x58: {  	v13 =	vld [tilespmem:s17+$0xB10];
	[tilespmem:s18+$0x1B00] =	vst v7;
	v19 =	vxor.u32 $0x80000000, v6;
	v7 =	vshrl.u32 v20, $0x1B;
	v23 =	vperm.xlane v16, v2;
	v15, _, _ =	vpop (xrf0)  }
0x59: {  	[tilespmem:s18+$0x1700] =	vst v9;
	v12 =	vld [tilespmem:s17+$0xC10];
	v25 =	vperm.xlane v19, v2;
	v21 =	vand.u32 $0x10, v7;
	v9 =	vxor.u32 $0x80000000, v15  }
0x5a: {  	[tilespmem:s18+$0x1710] =	vst v24;
	v6 =	vld [tilespmem:s16+$0xB00];
	vm2 =	vne.s32 v16, v23;
	v23 =	vand.u32 $0x10, v18;
	vm4 =	vgt.s32 v9, $0x0  }
0x5b: {  	[tilespmem:s18+$0x1800] =	vst v22;
	v7 =	vld [tilespmem:s16+$0xC00];
	v18, _, _ =	vpop (xrf0);
	vm3 =	vne.s32 v19, v25;
	v22 =	vsel vm2, v1, v3;
	v26 =	vnsel vm4, $0x0, v9  }
0x5c: {  	s19 =	simm.s32 $0x4;
	s20 =	simm.s32 $0x180;
	v9 =	vld [tilespmem:s16+$0xC10];
	v25 =	vsel vm3, v1, v3;
	v24 =	vperm.xlane v22, v4;
	v22 =	vxor.u32 $0x80000000, v18;
	[tilespmem:s18+$0x1A10] =	vst v26  }
.LBB2_6:
0x5d: {  	s21 =	sshra.s32 s20, $0x2;
	s19 =	sadd.s32 $0x2, s19;
	v25 =	vperm.xlane v25, v4;
	v20 =	vadd.s32 v20, v21;
	v17 =	vadd.s32 v17, v23;
	[tilespmem:s18+$0x1810] =	vst v14  }
0x5e: {  	vm3 =	vmor vm3, vm0;
	vm4 =	vgt.s32 v22, $0x0;
	v21 =	vld [tilespmem:s21+$0xA10];
	p0 =	slt.u32 s19, $0xE;
	[tilespmem:s17+$0x1900] =	vst v19;
	v14 =	vsel vm1, $0xFFFFFFFF, v24  }
0x5f: {  	vm2 =	vmor vm2, vm0;
	v19 =	vld [tilespmem:s21+$0xA00];
	v23 =	vsel vm1, $0xFFFFFFFF, v25;
	v14 =	vxor.u32 $0x80000000, v14;
	[tilespmem:s17+$0x1910] =	vst v16  }
0x60: {  	v24 =	vperm.xlane v11, v20;
	v16 =	vxor.u32 $0x80000000, v23;
	v23 =	vperm.xlane v10, v20;
	(xrf0) =	vmax.scan.msk.u32 $0xffff, v14;
	v10 =	vmovc v6;
	v6 =	vld [tilespmem:s21+$0xB00]  }
0x61: {  	v26 =	vnsel vm4, $0x0, v22;
	v11 =	vmovc v7;
	v25 =	vperm.xlane v13, v17;
	v14 =	vperm.xlane v12, v17;
	(xrf0) =	vmax.scan.msk.u32 $0xffff, v16;
	v7 =	vld [tilespmem:s21+$0xC00]  }
0x62: {  	v15 =	vshrl.u32 v15, $0x1F;
	v22 =	vsel vm3, $0x1, v5;
	v13 =	vmovc v8;
	v12 =	vmovc v9;
	v16 =	vshrl.u32 v18, $0x1F;
	[tilespmem:s18+$0x1A00] =	vst v26;
	v8 =	vld [tilespmem:s21+$0xB10]  }
0x63: {  	v18 =	vsel vm2, $0x1, v5;
	v9 =	vld [tilespmem:s21+$0xC10];
	v21 =	vxor.u32 $0x80000000, v21;
	[tilespmem:s18+$0x1C00] =	vst v16  }
0x64: {  	v16 =	vxor.u32 $0x80000000, v19;
	(xrf1) =	vsort.ascd.msk.u32 $0xffff, v21, v1;
	v19, v17, _ =	vpop (xrf1);
	[tilespmem:s18+$0x1C10] =	vst v15;
	s18 =	smov.u32 s17;
	s17 =	smov.u32 s16;
	s16 =	smov.u32 s21  }
0x65: {  	(xrf1) =	vsort.ascd.msk.u32 $0xffff, v16, v1;
	v16 =	vxor.u32 $0x80000000, v19;
	v26 =	vshrl.u32 v17, $0x1B;
	v15, v20, _ =	vpop (xrf1);
	[tilespmem:s18+$0x1B00] =	vst v22  }
.Ltmp2:
0x66: {  	v19 =	vxor.u32 $0x80000000, v15;
	v21 =	vshrl.u32 v20, $0x1B;
	v22 =	vperm.xlane v16, v2;
	[tilespmem:s18+$0x1B10] =	vst v18;
	v15, _, _ =	vpop (xrf0);
	(pc) =	sbr.rel @p0 .LBB2_6-.Ltmp2, $4  }
0x67: {  	v27 =	vperm.xlane v19, v2;
	v21 =	vand.u32 $0x10, v21;
	[tilespmem:s18+$0x1700] =	vst v23;
	v28 =	vxor.u32 $0x80000000, v15;
	v18, _, _ =	vpop (xrf0)  }
0x68: {  	v23 =	vand.u32 $0x10, v26;
	vm2 =	vne.s32 v16, v22;
	[tilespmem:s18+$0x1800] =	vst v24;
	vm4 =	vgt.s32 v28, $0x0  }
0x69: {  	vm3 =	vne.s32 v19, v27;
	v22 =	vsel vm2, v1, v3;
	[tilespmem:s18+$0x1710] =	vst v25;
	v26 =	vnsel vm4, $0x0, v28  }
0x6a: {  	s20 =	sadd.s32 $0x80, s20;
	v25 =	vsel vm3, v1, v3;
	v24 =	vperm.xlane v22, v4;
	v22 =	vxor.u32 $0x80000000, v18;
	[tilespmem:s18+$0x1A10] =	vst v26  }
0x6b: {  	_ = 	snop  }
0x6c: {  	vm1 =	veq.s32 v1, $0x0  }
0x6d: {  	v25 =	vperm.xlane v25, v4;
	[tilespmem:s18+$0x1810] =	vst v14;
	v24 =	vsel vm1, $0xFFFFFFFF, v24  }
0x6e: {  	v20 =	vadd.s32 v20, v21;
	[tilespmem:s17+$0x1900] =	vst v19;
	vm4 =	vgt.s32 v22, $0x0;
	v31 =	vxor.u32 $0x80000000, v24  }
0x6f: {  	v32 =	vadd.s32 v17, v23;
	[tilespmem:s17+$0x1910] =	vst v16;
	v35 =	vshrl.u32 v18, $0x1F;
	(xrf0) =	vmax.scan.msk.u32 $0xffff, v31  }
0x70: {  	vm3 =	vmor vm3, vm0;
	v15 =	vshrl.u32 v15, $0x1F;
	[tilespmem:s18+$0x1C00] =	vst v35;
	v34 =	vsel vm1, $0xFFFFFFFF, v25  }
0x71: {  	vm2 =	vmor vm2, vm0;
	v33 =	vnsel vm4, $0x0, v22;
	[tilespmem:s18+$0x1C10] =	vst v15;
	v17 =	vxor.u32 $0x80000000, v34  }
0x72: {  	v39 =	vsel vm3, $0x1, v5;
	v10 =	vperm.xlane v10, v20;
	[tilespmem:s18+$0x1A00] =	vst v33;
	(xrf0) =	vmax.scan.msk.u32 $0xffff, v17;
	v37, v36, _ =	vpop (xrf1)  }
0x73: {  	v43 =	vsel vm2, $0x1, v5;
	v11 =	vperm.xlane v11, v20;
	[tilespmem:s17+$0x1B00] =	vst v39;
	v38 =	vxor.u32 $0x80000000, v37;
	v41, v40, _ =	vpop (xrf1)  }
0x74: {  	v13 =	vperm.xlane v13, v32;
	[tilespmem:s17+$0x1B10] =	vst v43;
	v42 =	vperm.xlane v38, v2;
	v15 =	vxor.u32 $0x80000000, v41  }
0x75: {  	v12 =	vperm.xlane v12, v32;
	[tilespmem:s17+$0x1700] =	vst v10;
	v44, _, _ =	vpop (xrf0);
	v45 =	vperm.xlane v15, v2  }
0x76: {  	[tilespmem:s17+$0x1800] =	vst v11;
	v54 =	vshrl.u32 v40, $0x1B;
	v46 =	vxor.u32 $0x80000000, v44;
	vm2 =	vne.s32 v38, v42  }
0x77: {  	[tilespmem:s17+$0x1710] =	vst v13;
	v56 =	vand.u32 $0x10, v54;
	v21 =	vsel vm2, v1, v3;
	vm15 =	vne.s32 v15, v45  }
0x78: {  	[tilespmem:s17+$0x1810] =	vst v12;
	v49, _, _ =	vpop (xrf0);
	v57 =	vshrl.u32 v44, $0x1F;
	v47 =	vperm.xlane v21, v4;
	v48 =	vsel vm15, v1, v3  }
0x79: {  	[tilespmem:s16+$0x1910] =	vst v38;
	vm3 =	vgt.s32 v46, $0x0;
	v51 =	vxor.u32 $0x80000000, v49;
	v50 =	vperm.xlane v48, v4  }
0x7a: {  	[tilespmem:s16+$0x1900] =	vst v15;
	v55 =	vshrl.u32 v49, $0x1F;
	v10 =	vnsel vm3, $0x0, v46;
	v11 =	vsel vm1, $0xFFFFFFFF, v47  }
0x7b: {  	v58 =	vadd.s32 v40, v56;
	[tilespmem:s17+$0x1A10] =	vst v10;
	v11 =	vxor.u32 $0x80000000, v11;
	v10 =	vsel vm1, $0xFFFFFFFF, v50  }
0x7c: {  	[tilespmem:s17+$0x1C10] =	vst v57;
	vm3 =	vgt.s32 v51, $0x0;
	(xrf0) =	vmax.scan.msk.u32 $0xffff, v11;
	v10 =	vxor.u32 $0x80000000, v10  }
0x7d: {  	[tilespmem:s17+$0x1C00] =	vst v55;
	vm2 =	vmor vm2, vm0;
	v53 =	vnsel vm3, $0x0, v51;
	(xrf0) =	vmax.scan.msk.u32 $0xffff, v10  }
0x7e: {  	v52 =	vshrl.u32 v36, $0x1B;
	v6 =	vperm.xlane v6, v58;
	v60 =	vsel vm2, $0x1, v5;
	[tilespmem:s17+$0x1A00] =	vst v53  }
0x7f: {  	v7 =	vperm.xlane v7, v58;
	[tilespmem:s16+$0x1B10] =	vst v60;
	v11 =	vand.u32 $0x10, v52  }
0x80: {  	[tilespmem:s16+$0x1700] =	vst v6;
	vm1 =	vmor vm15, vm0;
	v11 =	vadd.s32 v36, v11  }
0x81: {  	[tilespmem:s16+$0x1800] =	vst v7;
	v59 =	vsel vm1, $0x1, v5;
	v8 =	vperm.xlane v8, v11  }
0x82: {  	[tilespmem:s16+$0x1B00] =	vst v59;
	v7 =	vperm.xlane v9, v11;
	v61, _, _ =	vpop (xrf0)  }
0x83: {  	[tilespmem:s16+$0x1710] =	vst v8;
	v6 =	vxor.u32 $0x80000000, v61;
	v62, _, _ =	vpop (xrf0)  }
0x84: {  	[tilespmem:s16+$0x1810] =	vst v7;
	v7 =	vshrl.u32 v61, $0x1F;
	vm1 =	vgt.s32 v6, $0x0;
	v63 =	vxor.u32 $0x80000000, v62  }
0x85: {  	[tilespmem:s16+$0x1C10] =	vst v7;
	v6 =	vnsel vm1, $0x0, v6;
	vm1 =	vgt.s32 v63, $0x0  }
0x86: {  	[tilespmem:s16+$0x1A10] =	vst v6;
	v6 =	vnsel vm1, $0x0, v63  }
0x87: {  	[tilespmem:s16+$0x1A00] =	vst v6;
	v6 =	vshrl.u32 v62, $0x1F  }
0x88: {  	[tilespmem:s16+$0x1C00] =	vst v6  }
0x89: {  	_ =	swait.ge [sflag:s12], $0x800  }
0x8a: {  	[sflag:s12] =	ssyncset.done $0x0  }
0x8b: {  	s17 =	simm.s32 $0x0;
	s16 =	simm.s32 $0x0;
	[sflag:s12] =	ssyncadd.s32 $0xFFFFF800  }
.LBB2_8:
0x8c: {  	s18 =	sshll.u32 s17, $0x4  }
0x8d: {  	v6 =	vld [tilespmem:s18+$0x1700];
	_ =	sdelay $0x4  }
0x8e: {  	v10 =	vmul.u32 $0x28, v6;
	v6 =	vmov s16  }
0x8f: {  	v22 =	vand.u32 $0x18, v6  }
0x90: {  	s19 =	simm.s32 $0x1;
	v26 =	vand.u32 $0x6, v6;
	v6 =	vadd.s32 v10, v22  }
0x91: {  	v7 =	vmov s19;
	v6 =	vor.u32 v26, v6  }
0x92: {  	v28 =	vand.u32 $0x18, v7  }
0x93: {  	v12 =	vand.u32 $0x7, v7;
	v7 =	vadd.s32 v10, v28  }
0x94: {  	v7 =	vor.u32 v12, v7  }
0x95: {  	v13 =	vld [tilespmem:s18+$0x1800]  }
0x96: {  	v8 =	vld.idx.msk [tilespmem:v6+s3+$0x0], $0xffff  }
0x97: {  	s26 =	simm.s32 $0x2  }
0x98: {  	v6 =	vmov s26  }
0x99: {  	s28 =	simm.s32 $0x3;
	v11 =	vld.idx.msk [tilespmem:v7+s3+$0x0], $0xffff;
	v7 =	vand.u32 $0x18, v6  }
0x9a: {  	v14 =	vmov s28;
	v9 =	vand.u32 $0x6, v6;
	v15 =	vadd.s32 v10, v7  }
0x9b: {  	v6 =	vand.u32 $0x18, v14;
	v15 =	vor.u32 v9, v15;
	v16 =	vmul.f32 v8, v13  }
0x9c: {  	v8 =	vand.u32 $0x7, v14;
	v14 =	vadd.s32 v10, v6  }
0x9d: {  	v14 =	vor.u32 v8, v14;
	(xrf2) =	vadd.scan.msk.f32 $0xffff, v16;
	_ =	sdelay $0x1  }
0x9e: {  	s29 =	simm.s32 $0x4;
	v19 =	vld [tilespmem:s18+$0x1A00];
	v11 =	vmul.f32 v11, v13  }
0x9f: {  	v17 =	vmov s29;
	v21 =	vld.idx.msk [tilespmem:v15+s3+$0x0], $0xffff  }
0xa0: {  	v20 =	vld [tilespmem:s18+$0x1C00];
	(xrf2) =	vadd.scan.msk.f32 $0xffff, v11;
	v15 =	vand.u32 $0x18, v17  }
0xa1: {  	s30 =	simm.s32 $0x5;
	v24 =	vadd.s32 v10, v15;
	v23 =	vld.idx.msk [tilespmem:v14+s3+$0x0], $0xffff;
	v14 =	vand.u32 $0x6, v17  }
0xa2: {  	v18 =	vmov s30;
	v16 =	vld [tilespmem:s18+$0x1900];
	v24 =	vor.u32 v14, v24  }
0xa3: {  	v11 =	vshrl.u32 v19, $0x1B;
	v17 =	vand.u32 $0x18, v18  }
0xa4: {  	v25 =	vld [tilespmem:s18+$0x1B00];
	v18 =	vand.u32 $0x7, v18;
	v27 =	vadd.s32 v10, v17;
	v29 =	vmul.f32 v21, v13  }
0xa5: {  	s31 =	simm.s32 $0x6;
	v11 =	vand.u32 $0x10, v11;
	v27 =	vor.u32 v18, v27  }
0xa6: {  	vm1 =	veq.s32 v20, $0x0;
	v11 =	vadd.s32 v19, v11;
	v19 =	vmov s31;
	v21, _, _ =	vpop (xrf2);
	(xrf2) =	vadd.scan.msk.f32 $0xffff, v29  }
0xa7: {  	v20 =	vand.u32 $0x18, v19;
	v16 =	vmul.u32 $0x28, v16;
	v30 =	vmul.f32 v23, v13;
	v23 =	vld.idx.msk [tilespmem:v24+s3+$0x0], $0xffff  }
0xa8: {  	v19 =	vand.u32 $0x6, v19;
	v31 =	vadd.s32 v10, v20;
	v32 =	vperm.xlane v21, v11  }
0xa9: {  	vm2 =	vne.s32 v25, $0x0;
	v25 =	vor.u32 v19, v31;
	v22 =	vadd.s32 v16, v22;
	(xrf2) =	vadd.scan.msk.f32 $0xffff, v30  }
0xaa: {  	s19 =	simm.s32 $0x7;
	s18 =	simm.s32 $0x8;
	v28 =	vadd.s32 v16, v28;
	v22 =	vor.u32 v26, v22;
	v24 =	vld.idx.msk [tilespmem:v27+s3+$0x0], $0xffff;
	v26, _, _ =	vpop (xrf2);
	v27 =	vsel vm1, $0x0, v32  }
.LBB2_9:
0xab: {  	p0 =	slt.u32 s18, $0x1E;
	v29 =	vmov s19;
	v34 =	vperm.xlane v26, v11;
	v28 =	vor.u32 v12, v28;
	v31 =	vmovc v6;
	v6 =	vmovc v17  }
0xac: {  	v32 =	vmul.f32 v23, v13;
	v21 =	vsub.f32 v21, v27;
	v12 =	vmovc v8;
	v8 =	vmovc v18;
	v17 =	vand.u32 $0x18, v29  }
0xad: {  	v30 =	vmovc v20;
	v33 =	vmovc v9;
	v18 =	vand.u32 $0x7, v29;
	v27 =	vadd.s32 v10, v17;
	v29 =	vsel vm1, $0x0, v34  }
0xae: {  	v9 =	vmovc v14;
	v14 =	vmov v19;
	v23 =	vld.idx.msk [tilespmem:v25+s3+$0x0], $0xffff;
	v27 =	vor.u32 v18, v27;
	v25 =	vsub.f32 v26, v29  }
.Ltmp3:
0xaf: {  	v19 =	vmov s18;
	(xrf2) =	vadd.scan.msk.f32 $0xffff, v32;
	[tilespmem:v22+s13+$0x0] =	vst.idx.add.f32.msk vm2, v21;
	(pc) =	sbr.rel @p0 .LBB2_9-.Ltmp3, $4  }
0xb0: {  	v20 =	vand.u32 $0x18, v19;
	v22 =	vmul.f32 v24, v13;
	v21, _, _ =	vpop (xrf2);
	[tilespmem:v28+s13+$0x0] =	vst.idx.add.f32.msk vm2, v25  }
0xb1: {  	v19 =	vand.u32 $0x6, v19;
	v24 =	vadd.s32 v10, v20;
	v29 =	vperm.xlane v21, v11  }
0xb2: {  	v25 =	vor.u32 v19, v24;
	(xrf2) =	vadd.scan.msk.f32 $0xffff, v22;
	v22 =	vadd.s32 v16, v7;
	v7 =	vmovc v15;
	v15 =	vmov v30  }
0xb3: {  	s19 =	sadd.s32 $0x1, s18;
	s18 =	sadd.s32 $0x2, s18;
	v28 =	vadd.s32 v16, v31;
	v24 =	vld.idx.msk [tilespmem:v27+s3+$0x0], $0xffff;
	v27 =	vsel vm1, $0x0, v29;
	v22 =	vor.u32 v33, v22;
	v26, _, _ =	vpop (xrf2)  }
0xb4: {  	v29 =	vmov s19  }
0xb5: {  	v30 =	vand.u32 $0x18, v29  }
0xb6: {  	v29 =	vand.u32 $0x7, v29;
	v10 =	vadd.s32 v10, v30  }
0xb7: {  	v10 =	vor.u32 v29, v10;
	_ =	sdelay $0x3  }
0xb8: {  	v25 =	vld.idx.msk [tilespmem:v25+s3+$0x0], $0xffff  }
0xb9: {  	v10 =	vld.idx.msk [tilespmem:v10+s3+$0x0], $0xffff;
	_ =	sdelay $0x1  }
0xba: {  	v23 =	vmul.f32 v23, v13  }
0xbb: {  	v42 =	vmul.f32 v24, v13  }
0xbc: {  	(xrf2) =	vadd.scan.msk.f32 $0xffff, v23;
	v43 =	vmul.f32 v25, v13  }
0xbd: {  	(xrf2) =	vadd.scan.msk.f32 $0xffff, v42;
	v10 =	vmul.f32 v10, v13  }
0xbe: {  	(xrf2) =	vadd.scan.msk.f32 $0xffff, v43  }
0xbf: {  	(xrf2) =	vadd.scan.msk.f32 $0xffff, v10;
	_ =	sdelay $0x1  }
0xc0: {  	v44 =	vperm.xlane v26, v11;
	v12 =	vor.u32 v12, v28;
	v21 =	vsub.f32 v21, v27  }
0xc1: {  	v7 =	vadd.s32 v16, v7;
	v6 =	vadd.s32 v16, v6;
	v53 =	vadd.s32 v16, v15;
	v45, _, _ =	vpop (xrf2)  }
0xc2: {  	v55 =	vadd.s32 v16, v17;
	v58 =	vadd.s32 v16, v20;
	v46 =	vperm.xlane v45, v11  }
0xc3: {  	v7 =	vor.u32 v9, v7;
	v60 =	vadd.s32 v16, v30;
	v47, _, _ =	vpop (xrf2);
	v13 =	vsel vm1, $0x0, v44  }
0xc4: {  	v23 =	vsel vm1, $0x0, v46;
	v49 =	vperm.xlane v47, v11;
	v13 =	vsub.f32 v26, v13  }
0xc5: {  	v6 =	vor.u32 v8, v6;
	v63 =	vor.u32 v29, v60;
	v51 =	vsub.f32 v45, v23;
	v48, _, _ =	vpop (xrf2)  }
0xc6: {  	v52 =	vsel vm1, $0x0, v49;
	v50 =	vperm.xlane v48, v11;
	[tilespmem:v12+s13+$0x0] =	vst.idx.add.f32.msk vm2, v13;
	v54, _, _ =	vpop (xrf2);
	v12 =	vor.u32 v14, v53  }
0xc7: {  	v10 =	vsub.f32 v47, v52;
	v14 =	vor.u32 v18, v55;
	v56 =	vperm.xlane v54, v11;
	v57, _, _ =	vpop (xrf2)  }
0xc8: {  	s17 =	sadd.s32 $0x1, s17;
	[tilespmem:v22+s13+$0x0] =	vst.idx.add.f32.msk vm2, v21;
	v9 =	vsel vm1, $0x0, v50;
	v18 =	vor.u32 v19, v58;
	v59 =	vperm.xlane v57, v11;
	v61, _, _ =	vpop (xrf2)  }
0xc9: {  	p0 =	sne.s32 s17, $0x10;
	[tilespmem:v7+s13+$0x0] =	vst.idx.add.f32.msk vm2, v51;
	v9 =	vsub.f32 v48, v9;
	v7 =	vsel vm1, $0x0, v56;
	v62 =	vperm.xlane v61, v11  }
.Ltmp4:
0xca: {  	[tilespmem:v6+s13+$0x0] =	vst.idx.add.f32.msk vm2, v10;
	v6 =	vsub.f32 v54, v7;
	v7 =	vsel vm1, $0x0, v59;
	(pc) =	sbr.rel @p0 .LBB2_8-.Ltmp4, $4  }
0xcb: {  	[tilespmem:v12+s13+$0x0] =	vst.idx.add.f32.msk vm2, v9;
	v7 =	vsub.f32 v57, v7;
	v8 =	vsel vm1, $0x0, v62  }
0xcc: {  	[tilespmem:v14+s13+$0x0] =	vst.idx.add.f32.msk vm2, v6;
	v6 =	vsub.f32 v61, v8  }
0xcd: {  	[tilespmem:v18+s13+$0x0] =	vst.idx.add.f32.msk vm2, v7  }
0xce: {  	[tilespmem:v63+s13+$0x0] =	vst.idx.add.f32.msk vm2, v6  }
0xcf: {  	s16 =	simm.s32 $0xD00  }
0xd0: {  	s17 =	simm.s32 $0x80;
	s19 =	sadd.s32 $0x0, s6;
	s18 =	simm.s32 $0xD28  }
.LBB2_12:
0xd1: {  	[hbm4b:s19+s3] =	stream.linear.scatter [tilespmem:s16], [sflag:$0x4], $0x20, $0x38;
	[tilespmem:$0x1D00] =	vst v63  }
0xd2: {  	s19 =	smov.u32 s17;
	s16 =	smov.u32 s18;
	p0 =	sne.s32 s17, $0x1F80  }
.Ltmp5:
0xd3: {  	s17 =	sadd.s32 $0x80, s17;
	(pc) =	sbr.rel @p0 .LBB2_12-.Ltmp5, $2  }
0xd4: {  	_ =	sdelay $0x2  }
0xd5: {  	s18 =	sadd.s32 $0x28, s18;
	s19 =	sadd.s32 s19, s6  }
0xd6: {  	s15 =	sadd.s32 $0x1, s15  }
0xd7: {  	p0 =	sne.s32 s15, s7  }
.Ltmp6:
0xd8: {  	_ = 	snop;
	(pc) =	sbr.rel @p0 .LBB2_1-.Ltmp6, $4  }
0xd9: {  	[hbm4b:s19+s3] =	stream.linear.scatter [tilespmem:s16], [sflag:$0x4], $0x20, $0x38;
	[tilespmem:$0x1D00] =	vst v63  }
0xda: {  	_ =	swait.ge [sflag:s14], $0x800  }
0xdb: {  	[sflag:s14] =	ssyncset.done $0x0  }
0xdc: {  	[sflag:s14] =	ssyncadd.s32 $0xFFFFF800  }
0xdd: {  	_ =	sfence.sel $0x180000  }
0xde: {  	[bflag:$0x0] =	sbarrier.arrive $0xFFFF  }
0xdf: {  	p0 =	sne.s32 s2, $0x0;
	_ =	strace $0x90000047  }
0xe0: {  	s0 =	sadd.s32 @!p0 $0x100000, s0;
	[bflag:$0x2] =	sbarrier.arrive $0xFFFF  }
0xe1: {  	[sflag:s0] =	ssyncadd.tile.s32 @!p0 $0x1;
	_ =	shalt  }
.Lfunc_end2:
_tile_overlayer_lowered:
.L_overlay_start_2:
0xe2: {  	(tag) =	ssettag $0x2  }
0xe3: {  	s0 =	rddreg [dreg:$0x0];
	s2 =	stileid.u32  }
0xe4: {  	s1 =	rddreg [dreg:$0x1];
	p0 =	sne.s32 s2, $0x0  }
0xe5: {  	s3 =	rddreg [dreg:$0x2];
	[bflag:$0x3] =	sbarrier.arrive $0xFFFF;
	s2 =	simm.s32 @!p0 $0x1C04  }
0xe6: {  	[timem:s3], [sflag:s2] =	dma.local @!p0 [hbm:s0], s1  }
0xe7: {  	s0 =	simm.s32 @!p0 $0x4  }
0xe8: {  	_ =	swait.ge @!p0 [sflag:s0], s1  }
0xe9: {  	s1 =	ssub.s32 @!p0 $0x0, s1;
	[sflag:s0] =	ssyncset.done @!p0 $0x0  }
0xea: {  	[sflag:s0] =	ssyncadd.s32 @!p0 s1  }
0xeb: {  	[bflag:$0x3] =	sbarrier.arrive $0xFFFF  }
0xec: {  	_ =	shalt  }

</sc_bundles>
